<compile_context>
chip_gen: v7x
topology: tpu7x:2x2x1
jax: 0.10.2.dev20260603
libtpu: 0.0.44.dev20260713+nightly
codegen_flags: <defaults>
</compile_context>

<pallas_src>
import jax
import jax.numpy as jnp
from jax.experimental import pallas as pl

_B, _N, _NC, _L, _QC, _SC = 8, 16384, 13, 1024, 96, 64
_T = 2048
_NT = _N // _T

_CONTRACT_11 = (((1,), (1,)), ((), ()))
_CONTRACT_00 = (((0,), (0,)), ((), ()))


def _dg(a, b, dims):
    return jax.lax.dot_general(a, b, dims, preferred_element_type=jnp.float32)


def _bdot(a, b):
    return jnp.dot(a.astype(jnp.bfloat16), b.astype(jnp.bfloat16),
                   preferred_element_type=jnp.float32)


def _proto_kernel(mem_ref, wk_ref, bk_ref, wv_ref, bv_ref, bq_ref,
                  memn_ref, k_ref, v_ref, kbq_ref):
    mem = mem_ref[...]
    mean = jnp.mean(mem, axis=1)
    nrm = jnp.sqrt(jnp.sum(mean * mean, axis=-1, keepdims=True))
    memn = mean / jnp.maximum(nrm, 1e-12)
    memn_ref[...] = memn
    k = jnp.dot(memn, wk_ref[...],
                preferred_element_type=jnp.float32) + bk_ref[...]
    k_ref[...] = k
    v_ref[...] = jnp.dot(memn, wv_ref[...],
                         preferred_element_type=jnp.float32) + bv_ref[...]
    kbq_ref[...] = _dg(k, bq_ref[...], _CONTRACT_11)


def _main_kernel(x_ref, gts_ref, memn_ref, k_ref, v_ref, kbq_ref,
                 p1_ref, p2_ref, p3_ref, p3b_ref,
                 wq_ref, wo_ref, bo_ref,
                 a1_ref, a1b_ref, a2_ref, a2b_ref,
                 ones_qc_ref, ones_sc_ref,
                 out_ref, loss_ref):
    i = pl.program_id(0)

    x = x_ref[...]

    h = jnp.maximum(_bdot(x, p1_ref[...]), 0.0)
    h = jnp.maximum(_bdot(h, p2_ref[...]), 0.0)
    proj = _bdot(h, p3_ref[...]) + p3b_ref[...]
    pn2 = _dg(ones_sc_ref[...], proj * proj, _CONTRACT_11)
    rs = 1.0 / jnp.maximum(jnp.sqrt(pn2), 1e-12)
    logits = _dg(memn_ref[...], proj, _CONTRACT_11) * rs
    sumexp = jnp.sum(jnp.exp(logits), axis=0, keepdims=True)
    lse = jnp.log(sumexp)
    idx = gts_ref[0]
    mask = (jax.lax.broadcasted_iota(jnp.int32, logits.shape, 0)
            == idx).astype(jnp.float32)
    part = (jnp.sum(lse, keepdims=True)
            - jnp.sum(mask * logits, keepdims=True))

    @pl.when(i == 0)
    def _init():
        loss_ref[...] = jnp.zeros_like(loss_ref)

    loss_ref[...] += part

    xn2 = _dg(ones_qc_ref[...], x * x, _CONTRACT_11)
    rx = 1.0 / jnp.maximum(jnp.sqrt(xn2), 1e-12)
    xq = _bdot(x, wq_ref[...])
    scores = (_dg(k_ref[...], xq, _CONTRACT_11) * rx
              + kbq_ref[...]) * 0.125
    e = jnp.exp(scores)
    att = e / jnp.sum(e, axis=0, keepdims=True)
    ctx = _dg(att, v_ref[...], _CONTRACT_00)
    reve = _bdot(ctx, wo_ref[...]) + bo_ref[...]
    res = x + reve

    h2 = jnp.maximum(_bdot(res, a1_ref[...]) + a1b_ref[...], 0.0)
    out_ref[0, 0] = res + _bdot(h2, a2_ref[...]) + a2b_ref[...]


@jax.jit
def _run(features, gts, memory, Wq, bq, Wk, bk, Wv, bv, Wo, bo,
         P1, P2, P3, p3b, A1, a1b, A2, a2b):
    memn, kmat, vmat, kbq = pl.pallas_call(
        _proto_kernel,
        out_shape=[
            jax.ShapeDtypeStruct((_NC, _SC), jnp.float32),
            jax.ShapeDtypeStruct((_NC, _SC), jnp.float32),
            jax.ShapeDtypeStruct((_NC, _SC), jnp.float32),
            jax.ShapeDtypeStruct((_NC, 1), jnp.float32),
        ],
    )(memory, Wk, bk.reshape(1, _SC), Wv, bv.reshape(1, _SC),
      bq.reshape(1, _SC))

    m_tokens = _B * _N
    ntiles = m_tokens // _T
    x2 = features.reshape(m_tokens, _QC)
    gts3 = gts.reshape(ntiles, 1, _T)
    ones_qc = jnp.ones((1, _QC), jnp.float32)
    ones_sc = jnp.ones((1, _SC), jnp.float32)

    full = lambda *s: pl.BlockSpec(s, lambda i: (0,) * len(s))
    out, loss_acc = pl.pallas_call(
        _main_kernel,
        grid=(ntiles,),
        in_specs=[
            pl.BlockSpec((_T, _QC), lambda i: (i, 0)),
            pl.BlockSpec((1, 1, _T), lambda i: (i, 0, 0)),
            full(_NC, _SC), full(_NC, _SC), full(_NC, _SC), full(_NC, 1),
            full(_QC, _SC), full(_SC, _SC), full(_SC, _SC), full(1, _SC),
            full(_QC, _SC), full(_SC, _QC), full(1, _QC),
            full(_QC, 4 * _QC), full(1, 4 * _QC),
            full(4 * _QC, _QC), full(1, _QC),
            full(1, _QC), full(1, _SC),
        ],
        out_specs=[
            pl.BlockSpec((1, 1, _T, _QC), lambda i: (i // _NT, i % _NT, 0, 0)),
            pl.BlockSpec((1, 1), lambda i: (0, 0)),
        ],
        out_shape=[
            jax.ShapeDtypeStruct((_B, _NT, _T, _QC), jnp.float32),
            jax.ShapeDtypeStruct((1, 1), jnp.float32),
        ],
    )(x2, gts3, memn, kmat, vmat, kbq,
      P1, P2, P3, p3b.reshape(1, _SC),
      Wq, Wo, bo.reshape(1, _QC),
      A1, a1b.reshape(1, 4 * _QC), A2, a2b.reshape(1, _QC),
      ones_qc, ones_sc)

    loss = loss_acc[0, 0] / jnp.float32(m_tokens)
    return out.reshape(_B, _N, _QC), loss


def kernel(features, coarse_pred, gts, memory, Wq, bq, Wk, bk, Wv, bv,
           Wo, bo, P1, P2, P3, p3b, A1, a1b, A2, a2b):
    del coarse_pred
    return _run(features, gts, memory, Wq, bq, Wk, bk, Wv, bv, Wo, bo,
                P1, P2, P3, p3b, A1, a1b, A2, a2b)

# --- scband reference (transcript-rebuilt; emitter-appended) ---
"""Pipeline reference for scband-memorynet-81990925680879 (READ-ONLY COPY).

The authoritative reference and input builder live on the scoring server;
editing this copy changes nothing except your own understanding.
"""

import jax, jax.numpy as jnp
import numpy as np

B, N, NC, L, QC, SC = 8, 16384, 13, 1024, 96, 64
TAO = 1.0

def _normalize(x, axis=-1, eps=1e-12):
    n = jnp.linalg.norm(x, axis=axis, keepdims=True)
    return x / jnp.maximum(n, eps)

def setup_inputs(seed: int = 0) -> dict:
    key = jax.random.key(seed)
    ks = jax.random.split(key, 24)
    s = 0.05
    inp = {}
    inp['features'] = jax.random.normal(ks[0], (B, N, QC), dtype=jnp.float32)
    inp['coarse_pred'] = jax.random.normal(ks[1], (B, NC, N), dtype=jnp.float32)
    inp['gts'] = jax.random.randint(ks[2], (B, N), 0, NC, dtype=jnp.int32)
    # memory buffer (assumed full, as in eval / post-warmup training)
    inp['memory'] = jax.random.normal(ks[3], (NC, L, SC), dtype=jnp.float32)
    # SemanticAwareAttention params (cross attention q:QC->SC, k,v:SC->SC, out:SC->QC)
    inp['Wq'] = jax.random.normal(ks[4], (QC, SC), dtype=jnp.float32) * s
    inp['bq'] = jnp.zeros((SC,), dtype=jnp.float32)
    inp['Wk'] = jax.random.normal(ks[5], (SC, SC), dtype=jnp.float32) * s
    inp['bk'] = jnp.zeros((SC,), dtype=jnp.float32)
    inp['Wv'] = jax.random.normal(ks[6], (SC, SC), dtype=jnp.float32) * s
    inp['bv'] = jnp.zeros((SC,), dtype=jnp.float32)
    inp['Wo'] = jax.random.normal(ks[7], (SC, QC), dtype=jnp.float32) * s
    inp['bo'] = jnp.zeros((QC,), dtype=jnp.float32)
    # proj_mlp (1x1 convs; eval-mode BatchNorm with default stats == identity)
    inp['P1'] = jax.random.normal(ks[8], (QC, SC), dtype=jnp.float32) * s
    inp['P2'] = jax.random.normal(ks[9], (SC, SC), dtype=jnp.float32) * s
    inp['P3'] = jax.random.normal(ks[10], (SC, SC), dtype=jnp.float32) * s
    inp['p3b'] = jnp.zeros((SC,), dtype=jnp.float32)
    # attn_mlp (1x1 convs QC -> 4QC -> QC; eval BN identity, eval dropout identity)
    inp['A1'] = jax.random.normal(ks[11], (QC, 4 * QC), dtype=jnp.float32) * s
    inp['a1b'] = jnp.zeros((4 * QC,), dtype=jnp.float32)
    inp['A2'] = jax.random.normal(ks[12], (4 * QC, QC), dtype=jnp.float32) * s
    inp['a2b'] = jnp.zeros((QC,), dtype=jnp.float32)
    return inp

def reference(features, coarse_pred, gts, memory, Wq, bq, Wk, bk, Wv, bv, Wo, bo, P1, P2, P3, p3b, A1, a1b, A2, a2b):
    b = features.shape[0]
    # class prototypes from memory bank
    mem_feat = memory.mean(axis=1)                      # (NC, SC)
    mem_feat = _normalize(mem_feat, axis=-1)
    mem_b = jnp.broadcast_to(mem_feat[None], (b,) + mem_feat.shape)  # (b, NC, SC)
    # contrastive branch: proj_mlp(features) then normalize over channel dim
    h = jax.nn.relu(features @ P1)
    h = jax.nn.relu(h @ P2)
    proj = h @ P3 + p3b                                  # (b, N, SC)
    proj = _normalize(proj, axis=-1)
    contrast_map = jnp.einsum('bcs,bns->bcn', mem_b, proj) / TAO   # (b, NC, N)
    logp = jax.nn.log_softmax(contrast_map, axis=1)
    picked = jnp.take_along_axis(logp, gts[:, None, :].astype(jnp.int32), axis=1)  # (b,1,N)
    contrast_loss = -jnp.mean(picked)
    # semantic-aware cross attention: queries=normalized features, keys/values=memory prototypes
    fq = _normalize(features, axis=-1)
    q = fq @ Wq + bq                                     # (b, N, SC)
    k = mem_b @ Wk + bk                                  # (b, NC, SC)
    v = mem_b @ Wv + bv                                  # (b, NC, SC)
    attn = jax.nn.softmax(jnp.einsum('bns,bcs->bnc', q, k) / jnp.sqrt(jnp.float32(SC)), axis=-1)
    reve = jnp.einsum('bnc,bcs->bns', attn, v) @ Wo + bo # (b, N, QC)
    res = features + reve                                # dropout identity in eval
    h2 = jax.nn.relu(res @ A1 + a1b)
    res = res + (h2 @ A2 + a2b)
    return (res, contrast_loss)

if __name__ == "__main__":
    import jax
    _d = setup_inputs()
    print(jax.jit(kernel)(*tuple(_d.values())))

</pallas_src>

<mosaic_0001>
module attributes {stable_mosaic.version = 14 : i64} {
  func.func @_proto_kernel(%arg0: memref<13x1024x64xf32, #tpu.memory_space<vmem>>, %arg1: memref<64x64xf32, #tpu.memory_space<vmem>>, %arg2: memref<1x64xf32, #tpu.memory_space<vmem>>, %arg3: memref<64x64xf32, #tpu.memory_space<vmem>>, %arg4: memref<1x64xf32, #tpu.memory_space<vmem>>, %arg5: memref<1x64xf32, #tpu.memory_space<vmem>>, %arg6: memref<13x64xf32, #tpu.memory_space<vmem>>, %arg7: memref<13x64xf32, #tpu.memory_space<vmem>>, %arg8: memref<13x64xf32, #tpu.memory_space<vmem>>, %arg9: memref<13x1xf32, #tpu.memory_space<vmem>>) attributes {dimension_semantics = [], scalar_prefetch = 0 : i64, scratch_operands = 0 : i64, tpu.core_type = #tpu.core_type<tc>} {
    %get3A = arith.constant 0 : index
    %get3A_0 = arith.constant 0 : index
    %get3A_1 = arith.constant 0 : index
    %get3A_2 = vector.load %arg0[%get3A, %get3A_0, %get3A_1] : memref<13x1024x64xf32, #tpu.memory_space<vmem>>, vector<13x1024x64xf32>
    %reduce_sum3A = arith.constant dense<0.000000e+00> : vector<13x64xf32>
    %reduce_sum3A_3 = vector.multi_reduction <add>, %get3A_2, %reduce_sum3A [1] : vector<13x1024x64xf32> to vector<13x64xf32>
    %div3A = arith.constant 1.024000e+03 : f32
    %div3A_4 = vector.broadcast %div3A : f32 to vector<13x64xf32>
    %div3A_5 = arith.divf %reduce_sum3A_3, %div3A_4 : vector<13x64xf32>
    %mul3A = arith.mulf %div3A_5, %div3A_5 : vector<13x64xf32>
    %reduce_sum3A_6 = arith.constant dense<0.000000e+00> : vector<13xf32>
    %reduce_sum3A_7 = vector.multi_reduction <add>, %mul3A, %reduce_sum3A_6 [1] : vector<13x64xf32> to vector<13xf32>
    %broadcast_in_dim3A = vector.shape_cast %reduce_sum3A_7 : vector<13xf32> to vector<13x1xf32>
    %sqrt3A = math.sqrt %broadcast_in_dim3A : vector<13x1xf32>
    %max3A = arith.constant 9.99999996E-13 : f32
    %max3A_8 = vector.broadcast %max3A : f32 to vector<13x1xf32>
    %max3A_9 = arith.maximumf %sqrt3A, %max3A_8 : vector<13x1xf32>
    %div3A_10 = vector.broadcast %max3A_9 : vector<13x1xf32> to vector<13x64xf32>
    %div3A_11 = arith.divf %div3A_5, %div3A_10 : vector<13x64xf32>
    %swap3A = arith.constant 0 : index
    %swap3A_12 = arith.constant 0 : index
    %swap3A_13 = vector.load %arg6[%swap3A, %swap3A_12] : memref<13x64xf32, #tpu.memory_space<vmem>>, vector<13x64xf32>
    tpu.vector_store %arg6[%swap3A, %swap3A_12], %div3A_11 {strides = array<i32>} : memref<13x64xf32, #tpu.memory_space<vmem>>, vector<13x64xf32>,
    %get3A_14 = arith.constant 0 : index
    %get3A_15 = arith.constant 0 : index
    %get3A_16 = vector.load %arg1[%get3A_14, %get3A_15] : memref<64x64xf32, #tpu.memory_space<vmem>>, vector<64x64xf32>
    %dot_general3A = arith.constant dense<0.000000e+00> : vector<13x64xf32>
    %dot_general3A_17 = tpu.matmul %div3A_11, %get3A_16, %dot_general3A {dimension_numbers = #tpu.dot_dimension_numbers<[1], [0], [0], [1], [0, 0, 1, 1], [], []>, transpose_lhs_hint = false} : vector<13x64xf32>, vector<64x64xf32>, vector<13x64xf32> -> vector<13x64xf32>
    %get3A_18 = arith.constant 0 : index
    %get3A_19 = arith.constant 0 : index
    %get3A_20 = vector.load %arg2[%get3A_18, %get3A_19] : memref<1x64xf32, #tpu.memory_space<vmem>>, vector<1x64xf32>
    %add3A = vector.broadcast %get3A_20 : vector<1x64xf32> to vector<13x64xf32>
    %add3A_21 = arith.addf %dot_general3A_17, %add3A : vector<13x64xf32>
    %swap3A_22 = arith.constant 0 : index
    %swap3A_23 = arith.constant 0 : index
    %swap3A_24 = vector.load %arg7[%swap3A_22, %swap3A_23] : memref<13x64xf32, #tpu.memory_space<vmem>>, vector<13x64xf32>
    tpu.vector_store %arg7[%swap3A_22, %swap3A_23], %add3A_21 {strides = array<i32>} : memref<13x64xf32, #tpu.memory_space<vmem>>, vector<13x64xf32>,
    %get3A_25 = arith.constant 0 : index
    %get3A_26 = arith.constant 0 : index
    %get3A_27 = vector.load %arg3[%get3A_25, %get3A_26] : memref<64x64xf32, #tpu.memory_space<vmem>>, vector<64x64xf32>
    %dot_general3A_28 = arith.constant dense<0.000000e+00> : vector<13x64xf32>
    %dot_general3A_29 = tpu.matmul %div3A_11, %get3A_27, %dot_general3A_28 {dimension_numbers = #tpu.dot_dimension_numbers<[1], [0], [0], [1], [0, 0, 1, 1], [], []>, transpose_lhs_hint = false} : vector<13x64xf32>, vector<64x64xf32>, vector<13x64xf32> -> vector<13x64xf32>
    %get3A_30 = arith.constant 0 : index
    %get3A_31 = arith.constant 0 : index
    %get3A_32 = vector.load %arg4[%get3A_30, %get3A_31] : memref<1x64xf32, #tpu.memory_space<vmem>>, vector<1x64xf32>
    %add3A_33 = vector.broadcast %get3A_32 : vector<1x64xf32> to vector<13x64xf32>
    %add3A_34 = arith.addf %dot_general3A_29, %add3A_33 : vector<13x64xf32>
    %swap3A_35 = arith.constant 0 : index
    %swap3A_36 = arith.constant 0 : index
    %swap3A_37 = vector.load %arg8[%swap3A_35, %swap3A_36] : memref<13x64xf32, #tpu.memory_space<vmem>>, vector<13x64xf32>
    tpu.vector_store %arg8[%swap3A_35, %swap3A_36], %add3A_34 {strides = array<i32>} : memref<13x64xf32, #tpu.memory_space<vmem>>, vector<13x64xf32>,
    %get3A_38 = arith.constant 0 : index
    %get3A_39 = arith.constant 0 : index
    %get3A_40 = vector.load %arg5[%get3A_38, %get3A_39] : memref<1x64xf32, #tpu.memory_space<vmem>>, vector<1x64xf32>
    %dot_general3A_41 = arith.constant dense<0.000000e+00> : vector<13x1xf32>
    %dot_general3A_42 = tpu.matmul %add3A_21, %get3A_40, %dot_general3A_41 {dimension_numbers = #tpu.dot_dimension_numbers<[1], [1], [0], [0], [0, 0, 1, 0], [], []>, transpose_lhs_hint = false} : vector<13x64xf32>, vector<1x64xf32>, vector<13x1xf32> -> vector<13x1xf32>
    %swap3A_43 = arith.constant 0 : index
    %swap3A_44 = arith.constant 0 : index
    %swap3A_45 = vector.load %arg9[%swap3A_43, %swap3A_44] : memref<13x1xf32, #tpu.memory_space<vmem>>, vector<13x1xf32>
    tpu.vector_store %arg9[%swap3A_43, %swap3A_44], %dot_general3A_42 {strides = array<i32>} : memref<13x1xf32, #tpu.memory_space<vmem>>, vector<13x1xf32>,
    return
  }
}

module attributes {stable_mosaic.version = 14 : i64} {
  func.func @_main_kernel(%arg0: i32, %arg1: memref<2048x96xf32, #tpu.memory_space<vmem>>, %arg2: memref<1x1x2048xi32, #tpu.memory_space<vmem>>, %arg3: memref<13x64xf32, #tpu.memory_space<vmem>>, %arg4: memref<13x64xf32, #tpu.memory_space<vmem>>, %arg5: memref<13x64xf32, #tpu.memory_space<vmem>>, %arg6: memref<13x1xf32, #tpu.memory_space<vmem>>, %arg7: memref<96x64xf32, #tpu.memory_space<vmem>>, %arg8: memref<64x64xf32, #tpu.memory_space<vmem>>, %arg9: memref<64x64xf32, #tpu.memory_space<vmem>>, %arg10: memref<1x64xf32, #tpu.memory_space<vmem>>, %arg11: memref<96x64xf32, #tpu.memory_space<vmem>>, %arg12: memref<64x96xf32, #tpu.memory_space<vmem>>, %arg13: memref<1x96xf32, #tpu.memory_space<vmem>>, %arg14: memref<96x384xf32, #tpu.memory_space<vmem>>, %arg15: memref<1x384xf32, #tpu.memory_space<vmem>>, %arg16: memref<384x96xf32, #tpu.memory_space<vmem>>, %arg17: memref<1x96xf32, #tpu.memory_space<vmem>>, %arg18: memref<1x96xf32, #tpu.memory_space<vmem>>, %arg19: memref<1x64xf32, #tpu.memory_space<vmem>>, %arg20: memref<1x1x2048x96xf32, #tpu.memory_space<vmem>>, %arg21: memref<1x1xf32, #tpu.memory_space<vmem>>) attributes {dimension_semantics = [#tpu.dimension_semantics<arbitrary>], iteration_bounds = array<i64: 64>, scalar_prefetch = 0 : i64, scratch_operands = 0 : i64, tpu.core_type = #tpu.core_type<tc>, window_params = [{transform_indices = @transform_0, window_bounds = array<i64: 2048, 96>}, {transform_indices = @transform_1, window_bounds = array<i64: 1, 1, 2048>}, {pipeline_mode = #tpu.pipeline_mode<synchronous>, transform_indices = @transform_2, window_bounds = array<i64: 13, 64>}, {pipeline_mode = #tpu.pipeline_mode<synchronous>, transform_indices = @transform_3, window_bounds = array<i64: 13, 64>}, {pipeline_mode = #tpu.pipeline_mode<synchronous>, transform_indices = @transform_4, window_bounds = array<i64: 13, 64>}, {pipeline_mode = #tpu.pipeline_mode<synchronous>, transform_indices = @transform_5, window_bounds = array<i64: 13, 1>}, {pipeline_mode = #tpu.pipeline_mode<synchronous>, transform_indices = @transform_6, window_bounds = array<i64: 96, 64>}, {pipeline_mode = #tpu.pipeline_mode<synchronous>, transform_indices = @transform_7, window_bounds = array<i64: 64, 64>}, {pipeline_mode = #tpu.pipeline_mode<synchronous>, transform_indices = @transform_8, window_bounds = array<i64: 64, 64>}, {pipeline_mode = #tpu.pipeline_mode<synchronous>, transform_indices = @transform_9, window_bounds = array<i64: 1, 64>}, {pipeline_mode = #tpu.pipeline_mode<synchronous>, transform_indices = @transform_10, window_bounds = array<i64: 96, 64>}, {pipeline_mode = #tpu.pipeline_mode<synchronous>, transform_indices = @transform_11, window_bounds = array<i64: 64, 96>}, {pipeline_mode = #tpu.pipeline_mode<synchronous>, transform_indices = @transform_12, window_bounds = array<i64: 1, 96>}, {pipeline_mode = #tpu.pipeline_mode<synchronous>, transform_indices = @transform_13, window_bounds = array<i64: 96, 384>}, {pipeline_mode = #tpu.pipeline_mode<synchronous>, transform_indices = @transform_14, window_bounds = array<i64: 1, 384>}, {pipeline_mode = #tpu.pipeline_mode<synchronous>, transform_indices = @transform_15, window_bounds = array<i64: 384, 96>}, {pipeline_mode = #tpu.pipeline_mode<synchronous>, transform_indices = @transform_16, window_bounds = array<i64: 1, 96>}, {pipeline_mode = #tpu.pipeline_mode<synchronous>, transform_indices = @transform_17, window_bounds = array<i64: 1, 96>}, {pipeline_mode = #tpu.pipeline_mode<synchronous>, transform_indices = @transform_18, window_bounds = array<i64: 1, 64>}, {transform_indices = @transform_19, window_bounds = array<i64: 1, 1, 2048, 96>}, {pipeline_mode = #tpu.pipeline_mode<synchronous>, transform_indices = @transform_20, window_bounds = array<i64: 1, 1>}]} {
    %get3A = arith.constant 0 : index
    %get3A_0 = arith.constant 0 : index
    %get3A_1 = vector.load %arg1[%get3A, %get3A_0] : memref<2048x96xf32, #tpu.memory_space<vmem>>, vector<2048x96xf32>
    %get3A_2 = arith.constant 0 : index
    %get3A_3 = arith.constant 0 : index
    %get3A_4 = vector.load %arg7[%get3A_2, %get3A_3] : memref<96x64xf32, #tpu.memory_space<vmem>>, vector<96x64xf32>
    %convert_element_type3A = arith.truncf %get3A_1 : vector<2048x96xf32> to vector<2048x96xbf16>
    %convert_element_type3A_5 = arith.truncf %get3A_4 : vector<96x64xf32> to vector<96x64xbf16>
    %dot_general3A = arith.constant dense<0.000000e+00> : vector<2048x64xf32>
    %dot_general3A_6 = tpu.matmul %convert_element_type3A, %convert_element_type3A_5, %dot_general3A {dimension_numbers = #tpu.dot_dimension_numbers<[1], [0], [0], [1], [0, 0, 1, 1], [], []>, transpose_lhs_hint = false} : vector<2048x96xbf16>, vector<96x64xbf16>, vector<2048x64xf32> -> vector<2048x64xf32>
    %max3A = arith.constant 0.000000e+00 : f32
    %max3A_7 = vector.broadcast %max3A : f32 to vector<2048x64xf32>
    %max3A_8 = arith.maximumf %dot_general3A_6, %max3A_7 : vector<2048x64xf32>
    %get3A_9 = arith.constant 0 : index
    %get3A_10 = arith.constant 0 : index
    %get3A_11 = vector.load %arg8[%get3A_9, %get3A_10] : memref<64x64xf32, #tpu.memory_space<vmem>>, vector<64x64xf32>
    %convert_element_type3A_12 = arith.truncf %max3A_8 : vector<2048x64xf32> to vector<2048x64xbf16>
    %convert_element_type3A_13 = arith.truncf %get3A_11 : vector<64x64xf32> to vector<64x64xbf16>
    %dot_general3A_14 = arith.constant dense<0.000000e+00> : vector<2048x64xf32>
    %dot_general3A_15 = tpu.matmul %convert_element_type3A_12, %convert_element_type3A_13, %dot_general3A_14 {dimension_numbers = #tpu.dot_dimension_numbers<[1], [0], [0], [1], [0, 0, 1, 1], [], []>, transpose_lhs_hint = false} : vector<2048x64xbf16>, vector<64x64xbf16>, vector<2048x64xf32> -> vector<2048x64xf32>
    %max3A_16 = arith.constant 0.000000e+00 : f32
    %max3A_17 = vector.broadcast %max3A_16 : f32 to vector<2048x64xf32>
    %max3A_18 = arith.maximumf %dot_general3A_15, %max3A_17 : vector<2048x64xf32>
    %get3A_19 = arith.constant 0 : index
    %get3A_20 = arith.constant 0 : index
    %get3A_21 = vector.load %arg9[%get3A_19, %get3A_20] : memref<64x64xf32, #tpu.memory_space<vmem>>, vector<64x64xf32>
    %convert_element_type3A_22 = arith.truncf %max3A_18 : vector<2048x64xf32> to vector<2048x64xbf16>
    %convert_element_type3A_23 = arith.truncf %get3A_21 : vector<64x64xf32> to vector<64x64xbf16>
    %dot_general3A_24 = arith.constant dense<0.000000e+00> : vector<2048x64xf32>
    %dot_general3A_25 = tpu.matmul %convert_element_type3A_22, %convert_element_type3A_23, %dot_general3A_24 {dimension_numbers = #tpu.dot_dimension_numbers<[1], [0], [0], [1], [0, 0, 1, 1], [], []>, transpose_lhs_hint = false} : vector<2048x64xbf16>, vector<64x64xbf16>, vector<2048x64xf32> -> vector<2048x64xf32>
    %get3A_26 = arith.constant 0 : index
    %get3A_27 = arith.constant 0 : index
    %get3A_28 = vector.load %arg10[%get3A_26, %get3A_27] : memref<1x64xf32, #tpu.memory_space<vmem>>, vector<1x64xf32>
    %add3A = vector.broadcast %get3A_28 : vector<1x64xf32> to vector<2048x64xf32>
    %add3A_29 = arith.addf %dot_general3A_25, %add3A : vector<2048x64xf32>
    %get3A_30 = arith.constant 0 : index
    %get3A_31 = arith.constant 0 : index
    %get3A_32 = vector.load %arg19[%get3A_30, %get3A_31] : memref<1x64xf32, #tpu.memory_space<vmem>>, vector<1x64xf32>
    %mul3A = arith.mulf %add3A_29, %add3A_29 : vector<2048x64xf32>
    %dot_general3A_33 = arith.constant dense<0.000000e+00> : vector<1x2048xf32>
    %dot_general3A_34 = tpu.matmul %get3A_32, %mul3A, %dot_general3A_33 {dimension_numbers = #tpu.dot_dimension_numbers<[1], [1], [0], [0], [0, 0, 1, 0], [], []>, transpose_lhs_hint = false} : vector<1x64xf32>, vector<2048x64xf32>, vector<1x2048xf32> -> vector<1x2048xf32>
    %sqrt3A = math.sqrt %dot_general3A_34 : vector<1x2048xf32>
    %max3A_35 = arith.constant 9.99999996E-13 : f32
    %max3A_36 = vector.broadcast %max3A_35 : f32 to vector<1x2048xf32>
    %max3A_37 = arith.maximumf %sqrt3A, %max3A_36 : vector<1x2048xf32>
    %div3A = arith.constant 1.000000e+00 : f32
    %div3A_38 = vector.broadcast %div3A : f32 to vector<1x2048xf32>
    %div3A_39 = arith.divf %div3A_38, %max3A_37 : vector<1x2048xf32>
    %get3A_40 = arith.constant 0 : index
    %get3A_41 = arith.constant 0 : index
    %get3A_42 = vector.load %arg3[%get3A_40, %get3A_41] : memref<13x64xf32, #tpu.memory_space<vmem>>, vector<13x64xf32>
    %dot_general3A_43 = arith.constant dense<0.000000e+00> : vector<13x2048xf32>
    %dot_general3A_44 = tpu.matmul %get3A_42, %add3A_29, %dot_general3A_43 {dimension_numbers = #tpu.dot_dimension_numbers<[1], [1], [0], [0], [0, 0, 1, 0], [], []>, transpose_lhs_hint = false} : vector<13x64xf32>, vector<2048x64xf32>, vector<13x2048xf32> -> vector<13x2048xf32>
    %mul3A_45 = vector.broadcast %div3A_39 : vector<1x2048xf32> to vector<13x2048xf32>
    %mul3A_46 = arith.mulf %dot_general3A_44, %mul3A_45 : vector<13x2048xf32>
    %exp3A = math.exp %mul3A_46 : vector<13x2048xf32>
    %reduce_sum3A = arith.constant dense<0.000000e+00> : vector<2048xf32>
    %reduce_sum3A_47 = vector.multi_reduction <add>, %exp3A, %reduce_sum3A [0] : vector<13x2048xf32> to vector<2048xf32>
    %broadcast_in_dim3A = vector.shape_cast %reduce_sum3A_47 : vector<2048xf32> to vector<1x2048xf32>
    %log3A = math.log %broadcast_in_dim3A : vector<1x2048xf32>
    %get3A_48 = arith.constant 0 : index
    %get3A_49 = arith.constant 0 : index
    %get3A_50 = arith.constant 0 : index
    %get3A_51 = vector.load %arg2[%get3A_48, %get3A_49, %get3A_50] : memref<1x1x2048xi32, #tpu.memory_space<vmem>>, vector<1x1x2048xi32>
    %get3A_52 = vector.shape_cast %get3A_51 : vector<1x1x2048xi32> to vector<1x2048xi32>
    %iota3A = tpu.iota {dimensions = array<i32: 0>} : vector<13x2048xi32>
    %eq3A = vector.broadcast %get3A_52 : vector<1x2048xi32> to vector<13x2048xi32>
    %eq3A_53 = arith.cmpi eq, %iota3A, %eq3A : vector<13x2048xi32>
    %convert_element_type3A_54 = arith.extui %eq3A_53 : vector<13x2048xi1> to vector<13x2048xi32>
    %convert_element_type3A_55 = arith.sitofp %convert_element_type3A_54 : vector<13x2048xi32> to vector<13x2048xf32>
    %reduce_sum3A_56 = vector.shape_cast %log3A : vector<1x2048xf32> to vector<1x1x2048xf32>
    %reduce_sum3A_57 = arith.constant dense<0.000000e+00> : vector<1xf32>
    %reduce_sum3A_58 = vector.multi_reduction <add>, %reduce_sum3A_56, %reduce_sum3A_57 [1, 2] : vector<1x1x2048xf32> to vector<1xf32>
    %reduce_sum3A_59 = vector.shape_cast %reduce_sum3A_58 : vector<1xf32> to vector<1x1x1xf32>
    %reduce_sum3A_60 = vector.extract %reduce_sum3A_59[0, 0, 0] : f32 from vector<1x1x1xf32>
    %broadcast_in_dim3A_61 = vector.broadcast %reduce_sum3A_60 : f32 to vector<1x1xf32>
    %mul3A_62 = arith.mulf %convert_element_type3A_55, %mul3A_46 : vector<13x2048xf32>
    %reduce_sum3A_63 = vector.shape_cast %mul3A_62 : vector<13x2048xf32> to vector<1x13x2048xf32>
    %reduce_sum3A_64 = arith.constant dense<0.000000e+00> : vector<1xf32>
    %reduce_sum3A_65 = vector.multi_reduction <add>, %reduce_sum3A_63, %reduce_sum3A_64 [1, 2] : vector<1x13x2048xf32> to vector<1xf32>
    %reduce_sum3A_66 = vector.shape_cast %reduce_sum3A_65 : vector<1xf32> to vector<1x1x1xf32>
    %reduce_sum3A_67 = vector.extract %reduce_sum3A_66[0, 0, 0] : f32 from vector<1x1x1xf32>
    %broadcast_in_dim3A_68 = vector.broadcast %reduce_sum3A_67 : f32 to vector<1x1xf32>
    %sub3A = arith.subf %broadcast_in_dim3A_61, %broadcast_in_dim3A_68 : vector<1x1xf32>
    %eq3A_69 = arith.constant 0 : i32
    %eq3A_70 = arith.cmpi eq, %arg0, %eq3A_69 : i32
    %convert_element_type3A_71 = arith.extui %eq3A_70 : i1 to i32
    %cond3A = arith.constant 0 : i32
    %cond3A_72 = arith.cmpi ne, %convert_element_type3A_71, %cond3A : i32
    scf.if %cond3A_72 {
      %broadcast_in_dim3A_173 = arith.constant 0.000000e+00 : f32
      %broadcast_in_dim3A_174 = vector.broadcast %broadcast_in_dim3A_173 : f32 to vector<1x1xf32>
      %swap3A_175 = arith.constant 0 : index
      %swap3A_176 = arith.constant 0 : index
      %swap3A_177 = vector.load %arg21[%swap3A_175, %swap3A_176] : memref<1x1xf32, #tpu.memory_space<vmem>>, vector<1x1xf32>
      tpu.vector_store %arg21[%swap3A_175, %swap3A_176], %broadcast_in_dim3A_174 {strides = array<i32>} : memref<1x1xf32, #tpu.memory_space<vmem>>, vector<1x1xf32>,
    } else {
    }
    %get3A_73 = arith.constant 0 : index
    %get3A_74 = arith.constant 0 : index
    %get3A_75 = vector.load %arg21[%get3A_73, %get3A_74] : memref<1x1xf32, #tpu.memory_space<vmem>>, vector<1x1xf32>
    %add3A_76 = arith.addf %get3A_75, %sub3A : vector<1x1xf32>
    %swap3A = arith.constant 0 : index
    %swap3A_77 = arith.constant 0 : index
    %swap3A_78 = vector.load %arg21[%swap3A, %swap3A_77] : memref<1x1xf32, #tpu.memory_space<vmem>>, vector<1x1xf32>
    tpu.vector_store %arg21[%swap3A, %swap3A_77], %add3A_76 {strides = array<i32>} : memref<1x1xf32, #tpu.memory_space<vmem>>, vector<1x1xf32>,
    %get3A_79 = arith.constant 0 : index
    %get3A_80 = arith.constant 0 : index
    %get3A_81 = vector.load %arg18[%get3A_79, %get3A_80] : memref<1x96xf32, #tpu.memory_space<vmem>>, vector<1x96xf32>
    %mul3A_82 = arith.mulf %get3A_1, %get3A_1 : vector<2048x96xf32>
    %dot_general3A_83 = arith.constant dense<0.000000e+00> : vector<1x2048xf32>
    %dot_general3A_84 = tpu.matmul %get3A_81, %mul3A_82, %dot_general3A_83 {dimension_numbers = #tpu.dot_dimension_numbers<[1], [1], [0], [0], [0, 0, 1, 0], [], []>, transpose_lhs_hint = false} : vector<1x96xf32>, vector<2048x96xf32>, vector<1x2048xf32> -> vector<1x2048xf32>
    %sqrt3A_85 = math.sqrt %dot_general3A_84 : vector<1x2048xf32>
    %max3A_86 = arith.constant 9.99999996E-13 : f32
    %max3A_87 = vector.broadcast %max3A_86 : f32 to vector<1x2048xf32>
    %max3A_88 = arith.maximumf %sqrt3A_85, %max3A_87 : vector<1x2048xf32>
    %div3A_89 = arith.constant 1.000000e+00 : f32
    %div3A_90 = vector.broadcast %div3A_89 : f32 to vector<1x2048xf32>
    %div3A_91 = arith.divf %div3A_90, %max3A_88 : vector<1x2048xf32>
    %get3A_92 = arith.constant 0 : index
    %get3A_93 = arith.constant 0 : index
    %get3A_94 = vector.load %arg11[%get3A_92, %get3A_93] : memref<96x64xf32, #tpu.memory_space<vmem>>, vector<96x64xf32>
    %convert_element_type3A_95 = arith.truncf %get3A_1 : vector<2048x96xf32> to vector<2048x96xbf16>
    %convert_element_type3A_96 = arith.truncf %get3A_94 : vector<96x64xf32> to vector<96x64xbf16>
    %dot_general3A_97 = arith.constant dense<0.000000e+00> : vector<2048x64xf32>
    %dot_general3A_98 = tpu.matmul %convert_element_type3A_95, %convert_element_type3A_96, %dot_general3A_97 {dimension_numbers = #tpu.dot_dimension_numbers<[1], [0], [0], [1], [0, 0, 1, 1], [], []>, transpose_lhs_hint = false} : vector<2048x96xbf16>, vector<96x64xbf16>, vector<2048x64xf32> -> vector<2048x64xf32>
    %get3A_99 = arith.constant 0 : index
    %get3A_100 = arith.constant 0 : index
    %get3A_101 = vector.load %arg4[%get3A_99, %get3A_100] : memref<13x64xf32, #tpu.memory_space<vmem>>, vector<13x64xf32>
    %dot_general3A_102 = arith.constant dense<0.000000e+00> : vector<13x2048xf32>
    %dot_general3A_103 = tpu.matmul %get3A_101, %dot_general3A_98, %dot_general3A_102 {dimension_numbers = #tpu.dot_dimension_numbers<[1], [1], [0], [0], [0, 0, 1, 0], [], []>, transpose_lhs_hint = false} : vector<13x64xf32>, vector<2048x64xf32>, vector<13x2048xf32> -> vector<13x2048xf32>
    %mul3A_104 = vector.broadcast %div3A_91 : vector<1x2048xf32> to vector<13x2048xf32>
    %mul3A_105 = arith.mulf %dot_general3A_103, %mul3A_104 : vector<13x2048xf32>
    %get3A_106 = arith.constant 0 : index
    %get3A_107 = arith.constant 0 : index
    %get3A_108 = vector.load %arg6[%get3A_106, %get3A_107] : memref<13x1xf32, #tpu.memory_space<vmem>>, vector<13x1xf32>
    %add3A_109 = vector.broadcast %get3A_108 : vector<13x1xf32> to vector<13x2048xf32>
    %add3A_110 = arith.addf %mul3A_105, %add3A_109 : vector<13x2048xf32>
    %mul3A_111 = arith.constant 1.250000e-01 : f32
    %mul3A_112 = vector.broadcast %mul3A_111 : f32 to vector<13x2048xf32>
    %mul3A_113 = arith.mulf %add3A_110, %mul3A_112 : vector<13x2048xf32>
    %exp3A_114 = math.exp %mul3A_113 : vector<13x2048xf32>
    %reduce_sum3A_115 = arith.constant dense<0.000000e+00> : vector<2048xf32>
    %reduce_sum3A_116 = vector.multi_reduction <add>, %exp3A_114, %reduce_sum3A_115 [0] : vector<13x2048xf32> to vector<2048xf32>
    %broadcast_in_dim3A_117 = vector.shape_cast %reduce_sum3A_116 : vector<2048xf32> to vector<1x2048xf32>
    %div3A_118 = vector.broadcast %broadcast_in_dim3A_117 : vector<1x2048xf32> to vector<13x2048xf32>
    %div3A_119 = arith.divf %exp3A_114, %div3A_118 : vector<13x2048xf32>
    %get3A_120 = arith.constant 0 : index
    %get3A_121 = arith.constant 0 : index
    %get3A_122 = vector.load %arg5[%get3A_120, %get3A_121] : memref<13x64xf32, #tpu.memory_space<vmem>>, vector<13x64xf32>
    %dot_general3A_123 = arith.constant dense<0.000000e+00> : vector<2048x64xf32>
    %dot_general3A_124 = tpu.matmul %div3A_119, %get3A_122, %dot_general3A_123 {dimension_numbers = #tpu.dot_dimension_numbers<[0], [0], [1], [1], [0, 1, 1, 1], [], []>, transpose_lhs_hint = false} : vector<13x2048xf32>, vector<13x64xf32>, vector<2048x64xf32> -> vector<2048x64xf32>
    %get3A_125 = arith.constant 0 : index
    %get3A_126 = arith.constant 0 : index
    %get3A_127 = vector.load %arg12[%get3A_125, %get3A_126] : memref<64x96xf32, #tpu.memory_space<vmem>>, vector<64x96xf32>
    %convert_element_type3A_128 = arith.truncf %dot_general3A_124 : vector<2048x64xf32> to vector<2048x64xbf16>
    %convert_element_type3A_129 = arith.truncf %get3A_127 : vector<64x96xf32> to vector<64x96xbf16>
    %dot_general3A_130 = arith.constant dense<0.000000e+00> : vector<2048x96xf32>
    %dot_general3A_131 = tpu.matmul %convert_element_type3A_128, %convert_element_type3A_129, %dot_general3A_130 {dimension_numbers = #tpu.dot_dimension_numbers<[1], [0], [0], [1], [0, 0, 1, 1], [], []>, transpose_lhs_hint = false} : vector<2048x64xbf16>, vector<64x96xbf16>, vector<2048x96xf32> -> vector<2048x96xf32>
    %get3A_132 = arith.constant 0 : index
    %get3A_133 = arith.constant 0 : index
    %get3A_134 = vector.load %arg13[%get3A_132, %get3A_133] : memref<1x96xf32, #tpu.memory_space<vmem>>, vector<1x96xf32>
    %add3A_135 = vector.broadcast %get3A_134 : vector<1x96xf32> to vector<2048x96xf32>
    %add3A_136 = arith.addf %dot_general3A_131, %add3A_135 : vector<2048x96xf32>
    %add3A_137 = arith.addf %get3A_1, %add3A_136 : vector<2048x96xf32>
    %get3A_138 = arith.constant 0 : index
    %get3A_139 = arith.constant 0 : index
    %get3A_140 = vector.load %arg14[%get3A_138, %get3A_139] : memref<96x384xf32, #tpu.memory_space<vmem>>, vector<96x384xf32>
    %convert_element_type3A_141 = arith.truncf %add3A_137 : vector<2048x96xf32> to vector<2048x96xbf16>
    %convert_element_type3A_142 = arith.truncf %get3A_140 : vector<96x384xf32> to vector<96x384xbf16>
    %dot_general3A_143 = arith.constant dense<0.000000e+00> : vector<2048x384xf32>
    %dot_general3A_144 = tpu.matmul %convert_element_type3A_141, %convert_element_type3A_142, %dot_general3A_143 {dimension_numbers = #tpu.dot_dimension_numbers<[1], [0], [0], [1], [0, 0, 1, 1], [], []>, transpose_lhs_hint = false} : vector<2048x96xbf16>, vector<96x384xbf16>, vector<2048x384xf32> -> vector<2048x384xf32>
    %get3A_145 = arith.constant 0 : index
    %get3A_146 = arith.constant 0 : index
    %get3A_147 = vector.load %arg15[%get3A_145, %get3A_146] : memref<1x384xf32, #tpu.memory_space<vmem>>, vector<1x384xf32>
    %add3A_148 = vector.broadcast %get3A_147 : vector<1x384xf32> to vector<2048x384xf32>
    %add3A_149 = arith.addf %dot_general3A_144, %add3A_148 : vector<2048x384xf32>
    %max3A_150 = arith.constant 0.000000e+00 : f32
    %max3A_151 = vector.broadcast %max3A_150 : f32 to vector<2048x384xf32>
    %max3A_152 = arith.maximumf %add3A_149, %max3A_151 : vector<2048x384xf32>
    %get3A_153 = arith.constant 0 : index
    %get3A_154 = arith.constant 0 : index
    %get3A_155 = vector.load %arg16[%get3A_153, %get3A_154] : memref<384x96xf32, #tpu.memory_space<vmem>>, vector<384x96xf32>
    %convert_element_type3A_156 = arith.truncf %max3A_152 : vector<2048x384xf32> to vector<2048x384xbf16>
    %convert_element_type3A_157 = arith.truncf %get3A_155 : vector<384x96xf32> to vector<384x96xbf16>
    %dot_general3A_158 = arith.constant dense<0.000000e+00> : vector<2048x96xf32>
    %dot_general3A_159 = tpu.matmul %convert_element_type3A_156, %convert_element_type3A_157, %dot_general3A_158 {dimension_numbers = #tpu.dot_dimension_numbers<[1], [0], [0], [1], [0, 0, 1, 1], [], []>, transpose_lhs_hint = false} : vector<2048x384xbf16>, vector<384x96xbf16>, vector<2048x96xf32> -> vector<2048x96xf32>
    %add3A_160 = arith.addf %add3A_137, %dot_general3A_159 : vector<2048x96xf32>
    %get3A_161 = arith.constant 0 : index
    %get3A_162 = arith.constant 0 : index
    %get3A_163 = vector.load %arg17[%get3A_161, %get3A_162] : memref<1x96xf32, #tpu.memory_space<vmem>>, vector<1x96xf32>
    %add3A_164 = vector.broadcast %get3A_163 : vector<1x96xf32> to vector<2048x96xf32>
    %add3A_165 = arith.addf %add3A_160, %add3A_164 : vector<2048x96xf32>
    %swap3A_166 = arith.constant 0 : index
    %swap3A_167 = arith.constant 0 : index
    %swap3A_168 = arith.constant 0 : index
    %swap3A_169 = arith.constant 0 : index
    %swap3A_170 = vector.load %arg20[%swap3A_166, %swap3A_167, %swap3A_168, %swap3A_169] : memref<1x1x2048x96xf32, #tpu.memory_space<vmem>>, vector<1x1x2048x96xf32>
    %swap3A_171 = vector.shape_cast %swap3A_170 : vector<1x1x2048x96xf32> to vector<2048x96xf32>
    %swap3A_172 = vector.shape_cast %add3A_165 : vector<2048x96xf32> to vector<1x1x2048x96xf32>
    tpu.vector_store %arg20[%swap3A_166, %swap3A_167, %swap3A_168, %swap3A_169], %swap3A_172 {strides = array<i32>} : memref<1x1x2048x96xf32, #tpu.memory_space<vmem>>, vector<1x1x2048x96xf32>,
    return
  }
  func.func @transform_0(%arg0: i32) -> (i32, i32) {
    %c0_i32 = arith.constant 0 : i32
    %c0_i32_0 = arith.constant 0 : i32
    return %arg0, %c0_i32 : i32, i32
  }
  func.func @transform_1(%arg0: i32) -> (i32, i32, i32) {
    %c0_i32 = arith.constant 0 : i32
    %c0_i32_0 = arith.constant 0 : i32
    %c0_i32_1 = arith.constant 0 : i32
    return %arg0, %c0_i32, %c0_i32_0 : i32, i32, i32
  }
  func.func @transform_2(%arg0: i32) -> (i32, i32) {
    %c0_i32 = arith.constant 0 : i32
    %c0_i32_0 = arith.constant 0 : i32
    %c0_i32_1 = arith.constant 0 : i32
    return %c0_i32, %c0_i32_0 : i32, i32
  }
  func.func @transform_3(%arg0: i32) -> (i32, i32) {
    %c0_i32 = arith.constant 0 : i32
    %c0_i32_0 = arith.constant 0 : i32
    %c0_i32_1 = arith.constant 0 : i32
    return %c0_i32, %c0_i32_0 : i32, i32
  }
  func.func @transform_4(%arg0: i32) -> (i32, i32) {
    %c0_i32 = arith.constant 0 : i32
    %c0_i32_0 = arith.constant 0 : i32
    %c0_i32_1 = arith.constant 0 : i32
    return %c0_i32, %c0_i32_0 : i32, i32
  }
  func.func @transform_5(%arg0: i32) -> (i32, i32) {
    %c0_i32 = arith.constant 0 : i32
    %c0_i32_0 = arith.constant 0 : i32
    %c0_i32_1 = arith.constant 0 : i32
    return %c0_i32, %c0_i32_0 : i32, i32
  }
  func.func @transform_6(%arg0: i32) -> (i32, i32) {
    %c0_i32 = arith.constant 0 : i32
    %c0_i32_0 = arith.constant 0 : i32
    %c0_i32_1 = arith.constant 0 : i32
    return %c0_i32, %c0_i32_0 : i32, i32
  }
  func.func @transform_7(%arg0: i32) -> (i32, i32) {
    %c0_i32 = arith.constant 0 : i32
    %c0_i32_0 = arith.constant 0 : i32
    %c0_i32_1 = arith.constant 0 : i32
    return %c0_i32, %c0_i32_0 : i32, i32
  }
  func.func @transform_8(%arg0: i32) -> (i32, i32) {
    %c0_i32 = arith.constant 0 : i32
    %c0_i32_0 = arith.constant 0 : i32
    %c0_i32_1 = arith.constant 0 : i32
    return %c0_i32, %c0_i32_0 : i32, i32
  }
  func.func @transform_9(%arg0: i32) -> (i32, i32) {
    %c0_i32 = arith.constant 0 : i32
    %c0_i32_0 = arith.constant 0 : i32
    %c0_i32_1 = arith.constant 0 : i32
    return %c0_i32, %c0_i32_0 : i32, i32
  }
  func.func @transform_10(%arg0: i32) -> (i32, i32) {
    %c0_i32 = arith.constant 0 : i32
    %c0_i32_0 = arith.constant 0 : i32
    %c0_i32_1 = arith.constant 0 : i32
    return %c0_i32, %c0_i32_0 : i32, i32
  }
  func.func @transform_11(%arg0: i32) -> (i32, i32) {
    %c0_i32 = arith.constant 0 : i32
    %c0_i32_0 = arith.constant 0 : i32
    %c0_i32_1 = arith.constant 0 : i32
    return %c0_i32, %c0_i32_0 : i32, i32
  }
  func.func @transform_12(%arg0: i32) -> (i32, i32) {
    %c0_i32 = arith.constant 0 : i32
    %c0_i32_0 = arith.constant 0 : i32
    %c0_i32_1 = arith.constant 0 : i32
    return %c0_i32, %c0_i32_0 : i32, i32
  }
  func.func @transform_13(%arg0: i32) -> (i32, i32) {
    %c0_i32 = arith.constant 0 : i32
    %c0_i32_0 = arith.constant 0 : i32
    %c0_i32_1 = arith.constant 0 : i32
    return %c0_i32, %c0_i32_0 : i32, i32
  }
  func.func @transform_14(%arg0: i32) -> (i32, i32) {
    %c0_i32 = arith.constant 0 : i32
    %c0_i32_0 = arith.constant 0 : i32
    %c0_i32_1 = arith.constant 0 : i32
    return %c0_i32, %c0_i32_0 : i32, i32
  }
  func.func @transform_15(%arg0: i32) -> (i32, i32) {
    %c0_i32 = arith.constant 0 : i32
    %c0_i32_0 = arith.constant 0 : i32
    %c0_i32_1 = arith.constant 0 : i32
    return %c0_i32, %c0_i32_0 : i32, i32
  }
  func.func @transform_16(%arg0: i32) -> (i32, i32) {
    %c0_i32 = arith.constant 0 : i32
    %c0_i32_0 = arith.constant 0 : i32
    %c0_i32_1 = arith.constant 0 : i32
    return %c0_i32, %c0_i32_0 : i32, i32
  }
  func.func @transform_17(%arg0: i32) -> (i32, i32) {
    %c0_i32 = arith.constant 0 : i32
    %c0_i32_0 = arith.constant 0 : i32
    %c0_i32_1 = arith.constant 0 : i32
    return %c0_i32, %c0_i32_0 : i32, i32
  }
  func.func @transform_18(%arg0: i32) -> (i32, i32) {
    %c0_i32 = arith.constant 0 : i32
    %c0_i32_0 = arith.constant 0 : i32
    %c0_i32_1 = arith.constant 0 : i32
    return %c0_i32, %c0_i32_0 : i32, i32
  }
  func.func @transform_19(%arg0: i32) -> (i32, i32, i32, i32) {
    %jit3A = arith.constant 8 : i32
    %div3A = arith.divsi %arg0, %jit3A : i32
    %sign3A = arith.constant 0 : i32
    %sign3A_0 = arith.cmpi sgt, %arg0, %sign3A : i32
    %sign3A_1 = arith.extui %sign3A_0 : i1 to i32
    %sign3A_2 = arith.constant 0 : i32
    %sign3A_3 = arith.cmpi slt, %arg0, %sign3A_2 : i32
    %sign3A_4 = arith.extui %sign3A_3 : i1 to i32
    %sign3A_5 = arith.subi %sign3A_1, %sign3A_4 : i32
    %sign3A_6 = arith.constant 0 : i32
    %sign3A_7 = arith.cmpi sgt, %jit3A, %sign3A_6 : i32
    %sign3A_8 = arith.extui %sign3A_7 : i1 to i32
    %sign3A_9 = arith.constant 0 : i32
    %sign3A_10 = arith.cmpi slt, %jit3A, %sign3A_9 : i32
    %sign3A_11 = arith.extui %sign3A_10 : i1 to i32
    %sign3A_12 = arith.subi %sign3A_8, %sign3A_11 : i32
    %ne3A = arith.cmpi ne, %sign3A_5, %sign3A_12 : i32
    %rem3A = arith.remsi %arg0, %jit3A : i32
    %ne3A_13 = arith.constant 0 : i32
    %ne3A_14 = arith.cmpi ne, %rem3A, %ne3A_13 : i32
    %and3A = arith.andi %ne3A, %ne3A_14 : i1
    %sub3A = arith.constant 1 : i32
    %sub3A_15 = arith.subi %div3A, %sub3A : i32
    %select_n3A = arith.select %and3A, %sub3A_15, %div3A : i32
    %jit3A_16 = arith.constant 8 : i32
    %eq3A = arith.constant 0 : i32
    %eq3A_17 = arith.cmpi eq, %jit3A_16, %eq3A : i32
    %jit3A_18 = arith.constant 1 : i32
    %select_n3A_19 = arith.select %eq3A_17, %jit3A_18, %jit3A_16 : i32
    %rem3A_20 = arith.remsi %arg0, %select_n3A_19 : i32
    %ne3A_21 = arith.constant 0 : i32
    %ne3A_22 = arith.cmpi ne, %rem3A_20, %ne3A_21 : i32
    %lt3A = arith.constant 0 : i32
    %lt3A_23 = arith.cmpi slt, %rem3A_20, %lt3A : i32
    %lt3A_24 = arith.constant 0 : i32
    %lt3A_25 = arith.cmpi slt, %select_n3A_19, %lt3A_24 : i32
    %ne3A_26 = arith.xori %lt3A_23, %lt3A_25 : i1
    %and3A_27 = arith.andi %ne3A_26, %ne3A_22 : i1
    %add3A = arith.addi %rem3A_20, %select_n3A_19 : i32
    %select_n3A_28 = arith.select %and3A_27, %add3A, %rem3A_20 : i32
    %c0_i32 = arith.constant 0 : i32
    %c0_i32_29 = arith.constant 0 : i32
    %c0_i32_30 = arith.constant 0 : i32
    return %select_n3A, %select_n3A_28, %c0_i32, %c0_i32_29 : i32, i32, i32, i32
  }
  func.func @transform_20(%arg0: i32) -> (i32, i32) {
    %c0_i32 = arith.constant 0 : i32
    %c0_i32_0 = arith.constant 0 : i32
    %c0_i32_1 = arith.constant 0 : i32
    return %c0_i32, %c0_i32_0 : i32, i32
  }
}

</mosaic_0001>

<sc_bundles>
// kernel: sparse-core-data-format-call.cloned.1.call-start
scs
called_computation_lowered:
.L_overlay_start_0:
0x0: {  	s2 =	sld [smem:$0x3FD9]  }
0x1: {  	s3 =	sld [smem:$0x3FFE];
	_ =	sdelay $0x1  }
0x2: {  	s1 =	srdreg.scid  }
0x3: {  	s0 =	sand.u32 $0x1, s1  }
0x4: {  	s15 =	sshll.u32 s0, $0xA;
	s2 =	sadd.s32 s3, s2  }
0x5: {  	s2 =	sadd.s32 s2, s15  }
0x6: {  	[smem:$0x3FB5] =	sst s2  }
0x7: {  	_ = 	snop  }
0x8: {  	s2 =	sld [smem:$0x3FD0];
	_ =	sdelay $0x2  }
0x9: {  	s16 =	simm.s32 $0xA;
	s4 =	simm.s32 $0x10  }
0xa: {  	[smem:s4], [sflag:s16] =	dma.local [hbm:s2], $0x1  }
0xb: {  	_ =	swait.eq [sflag:s16], $0x1  }
0xc: {  	[sflag:s16] =	ssyncset.done $0x0  }
0xd: {  	[sflag:s16] =	ssyncadd.s32 $0xFFFFFFFF  }
0xe: {  	s17 =	sld [smem:$0x10];
	(tm) =	ssettm $0x1  }
0xf: {  	s18 =	sld [smem:$0x3FFB];
	_ =	sdelay $0x3  }
0x10: {  	_ =	strace s18  }
0x11: {  	s3 =	sld [smem:$0x3FFC];
	_ =	sdelay $0x3  }
0x12: {  	_ =	strace s3  }
0x13: {  	s3 =	sld [smem:$0x3FFD];
	_ =	sdelay $0x3  }
0x14: {  	_ =	strace s3  }
0x15: {  	_ =	strace $0x8FFFFFFF  }
0x16: {  	s19 =	sld [smem:$0x3FDB];
	_ =	sdelay $0x1  }
0x17: {  	s20 =	simm.s32 $_scs_section_size  }
0x18: {  	s5 =	simm.s32 $_size__tile_overlayer_lowered;
	s6 =	simm.s32 $_tile_overlayer_lowered  }
0x19: {  	s23 =	simm.s32 $0x1BFF;
	s22 =	sshll.u32 s6, $0x1;
	s3 =	sadd.s32 s20, s19  }
0x1a: {  	s7 =	simm.s32 $0x0;
	s21 =	sshll.u32 s5, $0x1;
	s5 =	sadd.s32 s22, s3  }
0x1b: {  	[timem:s7], [sflag:s23] =	dma.local [hbm:s5], s21  }
0x1c: {  	_ =	swait.ge [sflag:s23], s21  }
0x1d: {  	s4 =	ssub.s32 $0x0, s21;
	[sflag:s23] =	ssyncset.done $0x0  }
0x1e: {  	[sflag:s23] =	ssyncadd.s32 s4;
	_ =	sdelay $0x1  }
0x1f: {  	s24 =	simm.s32 $0x1B8B  }
0x20: {  	_ =	swait.ge [sflag:s24], $0x1  }
0x21: {  	[sflag:s24] =	ssyncset.done $0x0  }
0x22: {  	s26 =	simm.s32 $0x1B8E;
	s25 =	sld [smem:$0x3FFE];
	[sflag:s24] =	ssyncadd.s32 $0xFFFFFFFF  }
0x23: {  	s27 =	simm.s32 $execute0_lowered;
	[smem:$0x3FD2] =	sst s26  }
0x24: {  	s5 =	sshll.u32 s27, $0x1;
	_ =	strace $0x80000046;
	[dreg:$0x1] =	wrdreg $0xFFFFFFFF  }
0x25: {  	s28 =	simm.s32 $_size_execute0_lowered;
	s3 =	sadd.s32 s3, s5;
	[dreg:$0x0] =	wrdreg $0x0  }
0x26: {  	s5 =	sshll.u32 s28, $0x1;
	[dreg:$0x2] =	wrdreg s3  }
0x27: {  	[dreg:$0x3] =	wrdreg s5  }
0x28: {  	[dreg:$0x4] =	wrdreg $0xC0  }
0x29: {  	_ =	task [dreg:s7], $0x5FFFF  }
0x2a: {  	[dreg:$0x1] =	wrdreg $0xFFFFFFFF  }
0x2b: {  	[dreg:$0x0] =	wrdreg $0x60  }
0x2c: {  	[dreg:$0x2] =	wrdreg s25  }
0x2d: {  	[dreg:$0x3] =	wrdreg s17  }
0x2e: {  	[dreg:$0x4] =	wrdreg $0x9  }
0x2f: {  	_ =	task.clear_ibuf [dreg:s7], $0x5FFFF;
	_ =	strace $0x90000046  }
0x30: {  	s29 =	simm.s32 $0x9;
	_ =	strace $0x80000048  }
0x31: {  	_ =	swait.ge [sflag:s29], $0x1  }
0x32: {  	[sflag:s29] =	ssyncadd.s32 $0xFFFFFFFF  }
0x33: {  	_ =	strace $0x90000048  }
0x34: {  	_ =	sfence  }
0x35: {  	s30 =	sld [smem:$0x0];
	_ =	sdelay $0x2  }
0x36: {  	s31 =	sshll.u32 s1, $0xD;
	s1 =	sshrl.u32 s1, $0x2  }
0x37: {  	s3 =	sand.u32 $0x4000, s31;
	s1 =	sadd.s32 s1, s30  }
0x38: {  	s0 =	sor.u32 s3, s0;
	s1 =	sshll.u32 s1, $0x11  }
0x39: {  	s0 =	sor.u32 s1, s0  }
0x3a: {  	s0 =	sadd.s32 $0x8F2B, s0  }
0x3b: {  	[sflag:s0] =	ssyncadd.remote.s32 $0x1  }
0x3c: {  	_ =	sfence.sel $0xFFFF  }
0x3d: {  	[dreg:$0x0] =	wrdreg $0xFFFFFFFF;
	(pc) =	sbr.abs _section_cstart, $3  }
0x3e: {  	[dreg:$0x1] =	wrdreg $0xFFFFFFFF  }
0x3f: {  	_ =	task.clear_ibuf [dreg:s7], $0x2FFFF;
	_ =	strace $0x9FFFFFFF  }
0x40: {  	(tm) =	ssettm $0x7FFFFFFF  }
0x41: {  	_ =	shalt  }
tec
execute0_lowered:
.L_overlay_start_1:
0x0: {  	(tag) =	ssettag $0x1  }
0x1: {  	s0 =	stileid.u32  }
0x2: {  	s1 =	srdreg.scid;
	s4 =	rddreg [dreg:$0x0];
	s8 =	simm.s32 $0x1  }
0x3: {  	s9 =	simm.s32 $0x2;
	s15 =	simm.s32 $0x0;
	s16 =	simm.s32 $0x0  }
0x4: {  	s10 =	simm.s32 $0x0;
	s2 =	sshll.u32 s0, $0x4;
	s1 =	sshll.u32 s1, $0x8  }
0x5: {  	s11 =	simm.s32 $0x0;
	s14 =	simm.s32 $0x0;
	s1 =	sor.u32 s2, s1  }
0x6: {  	s4 =	sadd.s32 $0x202000, s4;
	s5 =	sand.u32 $0x7, s0;
	s3 =	sand.u32 $0x180, s1  }
0x7: {  	s2 =	rddreg [dreg:$0x1];
	s13 =	smov.u32 s5;
	s7 =	ssub.s32 $0x4000, s3  }
.Ltmp0:
0x8: {  	s1 =	rddreg [dreg:$0x2];
	s6 =	sand.u32 $0x180, s7;
	(pc) =	sbr.rel .LBB1_1-.Ltmp0, $4  }
0x9: {  	_ =	strace $0x80000047;
	s12 =	smov.u32 s3;
	p0 =	sne.s32 s6, $0x0  }
0xa: {  	s7 =	sshrl.u32 s7, $0x9;
	s6 =	simm.s32 $0x1;
	s8 =	simm.s32 @!p0 $0x0  }
0xb: {  	[sflag:s6] =	ssyncpa.u1 $0x0;
	p0 =	por $0x0, $0x0;
	s7 =	sadd.s32 s8, s7  }
0xc: {  	[sflag:s9] =	ssyncpa.u1 $0x0;
	s9 =	simm.s32 $0x20000;
	s8 =	sadd.s32 $0x1, s7  }
.LBB1_4:
0xd: {  	s21 =	sshra.s32 s21, $0x2;
	p1 =	sgt.s32 s11, $0x7;
	s22 =	smov.u32 s11  }
0xe: {  	s24 =	sshra.s32 s11, $0x1F;
	s25 =	smov.u32 s10;
	s26 =	sshra.s32 s10, $0x1F  }
0xf: {  	v5 =	vld [tilespmem:s18+$0xFFFFFFD0];
	[tilespmem:s19+$0x2040 ss:$0x81] =	vst.msk $0xffff, v4;
	s31 =	sand.u32 $0x78, s10;
	s20 =	sadd.s32 s21, s20;
	s21 =	sshll.u32 s10, $0x3  }
0x10: {  	v58 =	vld [tilespmem:s18+$0xFFFFFFE0];
	[tilespmem:s19+$0x2850 ss:$0x81] =	vst.msk $0xffff, v3;
	s22 =	simm.s32 @!p1 $0x7;
	s24 =	sand.u32 s24, s11;
	p1 =	sgt.s32 s10, $0x3F80  }
0x11: {  	v59 =	vld [tilespmem:s18+$0xFFFFFFF0];
	[tilespmem:s19+$0x3060 ss:$0x81] =	vst.msk $0xffff, v2;
	s28 =	sand.u32 s26, s10;
	s23 =	sshrl.u32 s21, $0xE;
	s22 =	ssub.s32 s22, s24  }
0x12: {  	v60 =	vld [tilespmem:s18+$0x0];
	[tilespmem:s19+$0x0 ss:$0x81] =	vst.msk $0xffff, v0;
	s25 =	simm.s32 @!p1 $0x3F80;
	s21 =	sand.u32 $0x3C00, s21;
	s29 =	smulhi.u32 $0x2AAAAAB, s23  }
0x13: {  	v61 =	vld [tilespmem:s18+$0x10];
	[tilespmem:s20+$0x3870 ss:$0x81] =	vst.msk $0xffff, v1;
	s30 =	ssub.s32 $0x8, s22;
	s24 =	ssub.s32 s25, s28;
	s28 =	smul.u32 $0x30000, s11  }
0x14: {  	v62 =	vld [tilespmem:s18+$0x20];
	s22 =	sadd.s32 $0xFFFFFFF9, s22;
	s21 =	sor.u32 s31, s21;
	s26 =	smul.u32 $0x60, s30;
	[tilespmem:s20+$0x810 ss:$0x81] =	vst.msk $0xffff, v5  }
0x15: {  	v63 =	vld [tilespmem:s18+$0xFFFFFFC0];
	p1 =	sgt.s32 s22, $0x0;
	s27 =	sadd.s32 $0xFFFFC080, s24;
	s19 =	smul.u32 $0x60, s29;
	[tilespmem:s20+$0x1020 ss:$0x81] =	vst.msk $0xffff, v58  }
0x16: {  	s18 =	ssub.s32 $0x4000, s24;
	[tilespmem:s20+$0x1830 ss:$0x81] =	vst.msk $0xffff, v59;
	s26 =	simm.s32 @p1 $0x0;
	p1 =	sgt.s32 s27, $0x7F  }
0x17: {  	[tilespmem:s20+$0x2040 ss:$0x81] =	vst.msk $0xffff, v60;
	s22 =	sadd.s32 s2, s28;
	s18 =	simm.s32 @p1 $0x0;
	s19 =	ssub.s32 s23, s19  }
0x18: {  	[tilespmem:s20+$0x2850 ss:$0x81] =	vst.msk $0xffff, v61;
	s29 =	sand.u32 $0x7, s10;
	s18 =	smul.u32 s18, s26;
	s19 =	sshll.u32 s19, $0xB  }
0x19: {  	s21 =	sshrl.u32 s21, $0x3;
	[tilespmem:s20+$0x3060 ss:$0x81] =	vst.msk $0xffff, v62;
	s30 =	sshll.u32 s29, $0x12;
	s19 =	sadd.s32 s19, s22  }
0x1a: {  	[tilespmem:s20+$0x0 ss:$0x81] =	vst.msk $0xffff, v63;
	s31 =	sor.u32 $0x400, s30;
	s18 =	sand.u32 $0x3FFFFFE0, s18;
	s19 =	sadd.s32 s21, s19  }
0x1b: {  	[hbm4b:s19+s31] =	stream.strided.scatter [tilespmem:s17], [sflag:$0x2], s18, s9, s31, $0x20;
	[tilespmem:$0x10100] =	vst v63  }
.LBB1_5:
0x1c: {  	p1 =	slt.u32 s14, $0x2  }
0x1d: {  	s18 =	smov.u32 s16;
	p2 =	sgt.s32 @!p1 s16, $0x7;
	s17 =	sshra.s32 @!p1 s16, $0x1F  }
0x1e: {  	p3 =	sgt.s32 @!p1 s15, $0x3F80;
	s19 =	sshra.s32 @!p1 s15, $0x1F;
	p2 =	por !p2, p1  }
0x1f: {  	s16 =	sand.u32 @!p1 s17, s16;
	p3 =	por !p3, p1;
	s17 =	smov.u32 s15  }
0x20: {  	s15 =	sand.u32 @!p1 s19, s15;
	s18 =	simm.s32 @p2 $0x7;
	s17 =	simm.s32 @p3 $0x3F80  }
0x21: {  	s19 =	smov.u32 s13;
	s16 =	ssub.s32 @!p1 s18, s16;
	s15 =	ssub.s32 @!p1 s17, s15  }
0x22: {  	s17 =	sadd.s32 @!p1 $0xFFFFFFF9, s16;
	s16 =	ssub.s32 @!p1 $0x8, s16;
	s18 =	sadd.s32 @!p1 $0xFFFFC080, s15  }
0x23: {  	p2 =	sgt.s32 @!p1 s17, $0x0;
	s16 =	smul.u32 @!p1 $0x60, s16;
	p3 =	sgt.s32 @!p1 s18, $0x7F  }
0x24: {  	s15 =	ssub.s32 @!p1 $0x4000, s15;
	p2 =	por !p2, p1;
	p3 =	por !p3, p1  }
0x25: {  	s17 =	sadd.s32 $0x200, s12;
	s16 =	simm.s32 @!p2 $0x0;
	s15 =	simm.s32 @!p3 $0x0  }
0x26: {  	p2 =	sgt.s32 s17, $0x3FFF;
	s15 =	smul.u32 @!p1 s15, s16;
	s16 =	sadd.s32 $0x8, s13  }
0x27: {  	s19 =	smov.u32 @p2 s16  }
0x28: {  	s17 =	smov.u32 @p2 s3;
	p2 =	sgt.s32 s19, $0x7  }
0x29: {  	s19 =	smov.u32 @p2 s5;
	p2 =	sne.s32 s14, s8  }
.Ltmp1:
0x2a: {  	p0 =	por !p0, !p0;
	s18 =	simm.s32 @!p1 $0x2;
	(pc) =	sbr.rel @!p2 .LBB1_6-.Ltmp1, $4  }
0x2b: {  	s16 =	smov.u32 s11;
	s11 =	smov.u32 s13;
	s15 =	sand.u32 @!p1 $0x3FFFFFE0, s15  }
0x2c: {  	_ =	swait.ge @!p1 [sflag:s18], s15;
	s20 =	ssub.s32 @!p1 $0x0, s15;
	s15 =	smov.u32 s10  }
0x2d: {  	s14 =	sadd.s32 $0x1, s14;
	s10 =	smov.u32 s12;
	[sflag:s18] =	ssyncset.done @!p1 $0x0  }
0x2e: {  	s12 =	smov.u32 s17;
	s13 =	smov.u32 s19;
	[sflag:s18] =	ssyncadd.s32 @!p1 s20  }
.LBB1_1:
0x2f: {  	p1 =	sge.u32 s14, s7;
	s31 =	sadd.s32 $0xFFFFFFFF, s14  }
0x30: {  	s17 =	sxor.u32 @!p1 $0xFFFFFFFF, s14;
	s18 =	sshll.u32 @!p1 s13, $0x12;
	s19 =	sshll.u32 @!p1 s12, $0x4  }
0x31: {  	s17 =	sshll.u32 @!p1 s17, $0xE;
	s19 =	sand.u32 @!p1 $0x3FFF0, s19;
	s18 =	sadd.s32 @!p1 s4, s18  }
0x32: {  	s17 =	sand.u32 @!p1 $0x4000, s17;
	s18 =	sadd.s32 @!p1 s19, s18;
	s19 =	simm.s32 @!p1 $0x0  }
0x33: {  	[tilespmem:s17], [sflag:$0x1] =	stream.linear.gather @!p1 [hbm4b:s18+s19], $0x4000, $0x38;
	[tilespmem:$0x10100] =	vst v63  }
0x34: {  	p1 =	sge.u32 s31, s7  }
.Ltmp2:
0x35: {  	_ = 	snop;
	(pc) =	sbr.rel @p1 .LBB1_5-.Ltmp2, $1  }
0x36: {  	_ =	sdelay $0x3  }
0x37: {  	s17 =	simm.s32 $0x1  }
0x38: {  	_ =	swait.ge [sflag:s6], $0x4000;
	s17 =	simm.s32 @!p0 $0x0  }
0x39: {  	[sflag:s6] =	ssyncset.done $0x0;
	s18 =	sshll.u32 s17, $0xE  }
0x3a: {  	[sflag:s6] =	ssyncadd.s32 $0xFFFFC000;
	s18 =	sor.u32 $0x40, s18  }
0x3b: {  	s17 =	smul.u32 $0x10200, s17;
	v0 =	vld [tilespmem:s18+$0x30]  }
0x3c: {  	v1 =	vld [tilespmem:s18+$0xFFFFFFD0]  }
0x3d: {  	s17 =	sshrl.u32 s17, $0x2;
	v5 =	vld [tilespmem:s18+$0xFFFFFFE0]  }
0x3e: {  	v6 =	vld [tilespmem:s18+$0xFFFFFFF0];
	s20 =	sor.u32 $0x8000, s17  }
0x3f: {  	s31 =	sand.u32 $0x1, s14;
	v4 =	vld [tilespmem:s18+$0x0];
	s19 =	sadd.s32 $0x0, s20  }
0x40: {  	v3 =	vld [tilespmem:s18+$0x10];
	s17 =	smul.u32 $0x10200, s31;
	[tilespmem:s19+$0x3870 ss:$0x81] =	vst.msk $0xffff, v0  }
0x41: {  	v2 =	vld [tilespmem:s18+$0x20];
	[tilespmem:s19+$0x810 ss:$0x81] =	vst.msk $0xffff, v1  }
0x42: {  	s17 =	sshrl.u32 s17, $0x2;
	v0 =	vld [tilespmem:s18+$0xFFFFFFC0];
	[tilespmem:s19+$0x1020 ss:$0x81] =	vst.msk $0xffff, v5;
	s18 =	sadd.s32 $0x80, s18  }
0x43: {  	s21 =	simm.s32 $0x4;
	s22 =	simm.s32 $0x8;
	s17 =	sor.u32 $0x8000, s17;
	[tilespmem:s19+$0x1830 ss:$0x81] =	vst.msk $0xffff, v6;
	v1 =	vld [tilespmem:s18+$0x30]  }
.LBB1_3:
0x44: {  	p1 =	sne.s32 s22, $0x1FC;
	v5 =	vld [tilespmem:s18+$0xFFFFFFD0];
	[tilespmem:s19+$0x2040 ss:$0x81] =	vst.msk $0xffff, v4  }
0x45: {  	v6 =	vld [tilespmem:s18+$0xFFFFFFE0];
	[tilespmem:s19+$0x2850 ss:$0x81] =	vst.msk $0xffff, v3  }
0x46: {  	s23 =	sshra.s32 s21, $0x2;
	s21 =	smov.u32 s22;
	v7 =	vld [tilespmem:s18+$0xFFFFFFF0];
	[tilespmem:s19+$0x3060 ss:$0x81] =	vst.msk $0xffff, v2  }
.Ltmp3:
0x47: {  	v4 =	vld [tilespmem:s18+$0x0];
	[tilespmem:s19+$0x0 ss:$0x81] =	vst.msk $0xffff, v0;
	s19 =	sadd.s32 s23, s20;
	(pc) =	sbr.rel @p1 .LBB1_3-.Ltmp3, $4  }
0x48: {  	v3 =	vld [tilespmem:s18+$0x10];
	[tilespmem:s19+$0x3870 ss:$0x81] =	vst.msk $0xffff, v1  }
0x49: {  	[tilespmem:s19+$0x810 ss:$0x81] =	vst.msk $0xffff, v5;
	v2 =	vld [tilespmem:s18+$0x20]  }
0x4a: {  	v0 =	vld [tilespmem:s18+$0xFFFFFFC0];
	[tilespmem:s19+$0x1020 ss:$0x81] =	vst.msk $0xffff, v6;
	s18 =	sadd.s32 $0x80, s18  }
0x4b: {  	s22 =	sadd.s32 $0x4, s22;
	v1 =	vld [tilespmem:s18+$0x30];
	[tilespmem:s19+$0x1830 ss:$0x81] =	vst.msk $0xffff, v7  }
.Ltmp4:
0x4c: {  	_ = 	snop;
	(pc) =	sbr.rel .LBB1_4-.Ltmp4, $1  }
0x4d: {  	_ =	sdelay $0x3  }
.LBB1_6:
0x4e: {  	_ =	sfence.sel $0x180000  }
0x4f: {  	s2 =	simm.s32 $0x1;
	[bflag:$0x0] =	sbarrier.arrive $0xFFFF  }
0x50: {  	s31 =	simm.s32 $0x2;
	[sflag:s2] =	ssyncpa.u1 $0x1  }
0x51: {  	[sflag:s31] =	ssyncpa.u1 $0x1  }
0x52: {  	p0 =	sne.s32 s0, $0x0;
	_ =	strace $0x90000047  }
0x53: {  	s0 =	sadd.s32 @!p0 $0x100000, s1;
	[bflag:$0x2] =	sbarrier.arrive $0xFFFF  }
0x54: {  	[sflag:s0] =	ssyncadd.tile.s32 @!p0 $0x1;
	_ =	shalt  }
.Lfunc_end1:
_tile_overlayer_lowered:
.L_overlay_start_2:
0x55: {  	(tag) =	ssettag $0x2  }
0x56: {  	s0 =	rddreg [dreg:$0x0];
	s2 =	stileid.u32  }
0x57: {  	s1 =	rddreg [dreg:$0x1];
	p0 =	sne.s32 s2, $0x0  }
0x58: {  	s3 =	rddreg [dreg:$0x2];
	[bflag:$0x3] =	sbarrier.arrive $0xFFFF;
	s2 =	simm.s32 @!p0 $0x1C01  }
0x59: {  	[timem:s3], [sflag:s2] =	dma.local @!p0 [hbm:s0], s1  }
0x5a: {  	s0 =	simm.s32 @!p0 $0x1  }
0x5b: {  	_ =	swait.ge @!p0 [sflag:s0], s1  }
0x5c: {  	s1 =	ssub.s32 @!p0 $0x0, s1;
	[sflag:s0] =	ssyncset.done @!p0 $0x0  }
0x5d: {  	[sflag:s0] =	ssyncadd.s32 @!p0 s1  }
0x5e: {  	[bflag:$0x3] =	sbarrier.arrive $0xFFFF  }
0x5f: {  	_ =	shalt  }

</sc_bundles>
